<compile_context>
chip_gen: v7x
topology: tpu7x:2x2x1
jax: 0.10.2.dev20260603
libtpu: 0.0.44.dev20260713+nightly
codegen_flags: <defaults>
</compile_context>

<pallas_src>
import functools

import jax
import jax.numpy as jnp
from jax import lax
from jax.experimental import pallas as pl
from jax.experimental.pallas import tpu as pltpu
from jax.experimental.pallas import tpu_sc as plsc

EMB = 300
NROW = 25
LANES = 16
NPAD = 32
FULL_CHUNKS = 18
TAIL_OFF = EMB - LANES
WPAD = FULL_CHUNKS * LANES + LANES
BLK = 128


def _make_sc_call():
    mesh = plsc.VectorSubcoreMesh(core_axis_name="c", subcore_axis_name="s")

    @functools.partial(
        pl.kernel,
        out_type=jax.ShapeDtypeStruct((NPAD,), jnp.float32),
        mesh=mesh,
        compiler_params=pltpu.CompilerParams(
            needs_layout_passes=False, use_tc_tiling_on_sc=True,
            skip_device_barrier=True),
        scratch_types=[
            pltpu.VMEM((NPAD,), jnp.int32),
            pltpu.VMEM((1, EMB), jnp.float32),
            pltpu.VMEM((1,), jnp.float32),
            pltpu.VMEM((EMB, BLK), jnp.float32),
            pltpu.VMEM((LANES,), jnp.float32),
            pltpu.VMEM((LANES * LANES,), jnp.float32),
            pltpu.VMEM((LANES,), jnp.float32),
            pltpu.VMEM_SHARED((LANES * LANES,), jnp.float32),
            pltpu.SemaphoreType.DMA,
        ],
    )
    def sc_fn(idx_hbm, wT_hbm, b_hbm, tableT_hbm, out_hbm,
              idx_v, w_v, b_v, blk_v, stage_v, flat_v, out_v, acc_sh, sem):
        cid = lax.axis_index("c")
        sid = lax.axis_index("s")
        row = cid * LANES + sid

        pltpu.sync_copy(idx_hbm, idx_v)
        pltpu.sync_copy(wT_hbm, w_v)

        lane = lax.iota(jnp.int32, LANES)
        r = plsc.load_gather(idx_v, [jnp.full((LANES,), row, jnp.int32)])[0]

        tb = pl.multiple_of((r // BLK) * BLK, BLK)
        cp = pltpu.async_copy(tableT_hbm.at[:, pl.ds(tb, BLK)], blk_v, sem)
        col = r - tb

        wchunks = [w_v[0, pl.ds(c * LANES, LANES)] for c in range(FULL_CHUNKS)]
        wtail = jnp.where(lane < (LANES - (EMB - FULL_CHUNKS * LANES)),
                          jnp.zeros((LANES,), jnp.float32),
                          w_v[0, pl.ds(TAIL_OFF, LANES)])

        cp.wait()
        colv = jnp.full((LANES,), col, jnp.int32)
        acc = plsc.load_gather(blk_v, [lane, colv]) * wchunks[0]
        for c in range(1, FULL_CHUNKS):
            acc = acc + plsc.load_gather(
                blk_v, [c * LANES + lane, colv]) * wchunks[c]
        acc = acc + plsc.load_gather(blk_v, [TAIL_OFF + lane, colv]) * wtail

        stage_v[pl.ds(0, LANES)] = acc
        off = pl.multiple_of(sid * LANES, LANES)
        pltpu.sync_copy(stage_v, acc_sh.at[pl.ds(off, LANES)])
        plsc.subcore_barrier()

        @pl.when(sid == 0)
        def _():
            pltpu.sync_copy(b_hbm, b_v)
            pltpu.sync_copy(acc_sh, flat_v)
            bias = plsc.load_gather(b_v, [jnp.zeros((LANES,), jnp.int32)])
            base = lane * LANES
            tot = plsc.load_gather(flat_v, [base])
            for j in range(1, LANES):
                tot = tot + plsc.load_gather(flat_v, [base + j])
            x = tot + bias
            out_v[pl.ds(0, LANES)] = 1.0 / (1.0 + jnp.exp(-x))
            oof = pl.multiple_of(cid * LANES, LANES)
            pltpu.sync_copy(out_v, out_hbm.at[pl.ds(oof, LANES)])

    return sc_fn


_SC_CALL = _make_sc_call()


def kernel(input_words, table, W, b):
    idx = jnp.pad(input_words[:, -1], (0, NPAD - NROW))
    out = _SC_CALL(idx, jnp.swapaxes(W, 0, 1), b, jnp.swapaxes(table, 0, 1))
    return out[:NROW]

# --- scband reference (transcript-rebuilt; emitter-appended) ---
"""Pipeline reference for scband-base-sentiment-73383811219930 (READ-ONLY COPY).

The authoritative reference and input builder live on the scoring server;
editing this copy changes nothing except your own understanding.
"""

import jax, jax.numpy as jnp
import numpy as np

VOCAB = 100000
EMB = 300
OUT = 1

def setup_inputs(seed: int = 0) -> dict:
    key = jax.random.key(seed)
    k1, k2, k3, k4 = jax.random.split(key, 4)
    input_words = jax.random.randint(k1, (25, 600), 0, VOCAB, dtype=jnp.int32)
    # embedding table (stands in for the pickled w2v dict); row 0 is zeros, as in open_embed_dict
    table = jax.random.normal(k2, (VOCAB, EMB), dtype=jnp.float32) * 0.1
    table = table.at[0].set(0.0)
    # fc: Linear(embedding_dim -> output_size)
    bound = 1.0 / np.sqrt(EMB)
    W = jax.random.uniform(k3, (EMB, OUT), dtype=jnp.float32, minval=-bound, maxval=bound)
    b = jax.random.uniform(k4, (OUT,), dtype=jnp.float32, minval=-bound, maxval=bound)
    return {"input_words": input_words, "table": table, "W": W, "b": b}

def reference(input_words, table, W, b):
    # get_embeddings: dict lookup -> gather from table, shape [25, 600, 300]
    x = jnp.take(table, input_words, axis=0)
    # fc
    x = jnp.dot(x, W) + b            # [25, 600, 1]
    # sigmoid
    x = jax.nn.sigmoid(x)
    # x.view(25, -1) then last column
    x = x.reshape(25, -1)            # [25, 600]
    return x[:, -1]                  # [25]

if __name__ == "__main__":
    import jax
    _d = setup_inputs()
    print(jax.jit(kernel)(*tuple(_d.values())))

</pallas_src>

<mosaic_0001>
#map = affine_map<(d0, d1) -> (0)>
#map1 = affine_map<(d0, d1) -> (0, 0)>
module attributes {stable_mosaic.version = 14 : i64} {
  func.func @sc_fn(%arg0: i32, %arg1: i32, %arg2: memref<32xi32, #tpu.memory_space<hbm>>, %arg3: memref<1x300xf32, #tpu.memory_space<hbm>>, %arg4: memref<1xf32, #tpu.memory_space<hbm>>, %arg5: memref<300x100000xf32, #tpu.memory_space<hbm>>, %arg6: memref<32xf32, #tpu.memory_space<hbm>>, %arg7: memref<32xi32, #tpu.memory_space<vmem>>, %arg8: memref<1x300xf32, #tpu.memory_space<vmem>>, %arg9: memref<1xf32, #tpu.memory_space<vmem>>, %arg10: memref<300x128xf32, #tpu.memory_space<vmem>>, %arg11: memref<16xf32, #tpu.memory_space<vmem>>, %arg12: memref<256xf32, #tpu.memory_space<vmem>>, %arg13: memref<16xf32, #tpu.memory_space<vmem>>, %arg14: memref<256xf32, #tpu.memory_space<vmem_shared>>, %arg15: memref<!tpu.dma_semaphore, #tpu.memory_space<semaphore_mem>>) attributes {dimension_semantics = [#tpu.dimension_semantics<core_parallel>, #tpu.dimension_semantics<subcore_parallel>], iteration_bounds = array<i64: 2, 16>, scalar_prefetch = 0 : i64, scratch_operands = 9 : i64, tpu.core_type = #tpu.core_type<sc_vector_subcore>, window_params = [{transform_indices = #map}, {transform_indices = #map1}, {transform_indices = #map}, {transform_indices = #map1}, {transform_indices = #map}]} {
    %mul3A = arith.constant 16 : i32
    %mul3A_0 = arith.muli %arg0, %mul3A : i32
    %add3A = arith.addi %mul3A_0, %arg1 : i32
    "tpu.region"() ({
      %run_scoped3A = tpu.sem_alloc : memref<!tpu.dma_semaphore, #tpu.memory_space<semaphore_mem>>
      tpu.enqueue_dma source(%arg2 : memref<32xi32, #tpu.memory_space<hbm>>) target(%arg7 : memref<32xi32, #tpu.memory_space<vmem>>) target_semaphore(%run_scoped3A : memref<!tpu.dma_semaphore, #tpu.memory_space<semaphore_mem>>)
      tpu.wait_dma2 semaphore(%run_scoped3A : memref<!tpu.dma_semaphore, #tpu.memory_space<semaphore_mem>>) src(%arg2 : memref<32xi32, #tpu.memory_space<hbm>>) dst(%arg7 : memref<32xi32, #tpu.memory_space<vmem>>)
      tpu.yield
    }) : () -> ()
    "tpu.region"() ({
      %run_scoped3A = tpu.sem_alloc : memref<!tpu.dma_semaphore, #tpu.memory_space<semaphore_mem>>
      tpu.enqueue_dma source(%arg3 : memref<1x300xf32, #tpu.memory_space<hbm>>) target(%arg8 : memref<1x300xf32, #tpu.memory_space<vmem>>) target_semaphore(%run_scoped3A : memref<!tpu.dma_semaphore, #tpu.memory_space<semaphore_mem>>)
      tpu.wait_dma2 semaphore(%run_scoped3A : memref<!tpu.dma_semaphore, #tpu.memory_space<semaphore_mem>>) src(%arg3 : memref<1x300xf32, #tpu.memory_space<hbm>>) dst(%arg8 : memref<1x300xf32, #tpu.memory_space<vmem>>)
      tpu.yield
    }) : () -> ()
    %iota3A = tpu.iota {dimensions = array<i32: 0>} : vector<16xi32>
    %broadcast_in_dim3A = vector.broadcast %add3A : i32 to vector<16xi32>
    %gather3A = tpu.vector_load_idx %arg7[%broadcast_in_dim3A] : memref<32xi32, #tpu.memory_space<vmem>>[vector<16xi32>], vector<16xi32>,
    %slice3A = vector.extract_strided_slice %gather3A {offsets = [0], sizes = [1], strides = [1]} : vector<16xi32> to vector<1xi32>
    %squeeze3A = vector.extract %slice3A[0] : i32 from vector<1xi32>
    %jit3A = arith.constant 128 : i32
    %div3A = arith.divsi %squeeze3A, %jit3A : i32
    %sign3A = arith.constant 0 : i32
    %sign3A_1 = arith.cmpi sgt, %squeeze3A, %sign3A : i32
    %sign3A_2 = arith.extui %sign3A_1 : i1 to i32
    %sign3A_3 = arith.constant 0 : i32
    %sign3A_4 = arith.cmpi slt, %squeeze3A, %sign3A_3 : i32
    %sign3A_5 = arith.extui %sign3A_4 : i1 to i32
    %sign3A_6 = arith.subi %sign3A_2, %sign3A_5 : i32
    %sign3A_7 = arith.constant 0 : i32
    %sign3A_8 = arith.cmpi sgt, %jit3A, %sign3A_7 : i32
    %sign3A_9 = arith.extui %sign3A_8 : i1 to i32
    %sign3A_10 = arith.constant 0 : i32
    %sign3A_11 = arith.cmpi slt, %jit3A, %sign3A_10 : i32
    %sign3A_12 = arith.extui %sign3A_11 : i1 to i32
    %sign3A_13 = arith.subi %sign3A_9, %sign3A_12 : i32
    %ne3A = arith.cmpi ne, %sign3A_6, %sign3A_13 : i32
    %rem3A = arith.remsi %squeeze3A, %jit3A : i32
    %ne3A_14 = arith.constant 0 : i32
    %ne3A_15 = arith.cmpi ne, %rem3A, %ne3A_14 : i32
    %and3A = arith.andi %ne3A, %ne3A_15 : i1
    %sub3A = arith.constant 1 : i32
    %sub3A_16 = arith.subi %div3A, %sub3A : i32
    %select_n3A = arith.select %and3A, %sub3A_16, %div3A : i32
    %mul3A_17 = arith.constant 128 : i32
    %mul3A_18 = arith.muli %select_n3A, %mul3A_17 : i32
    %multiple_of3A = tpu.assume_multiple %mul3A_18, 128 : i32
    %dma_start3A = arith.constant 0 : i32
    %dma_start3A_19 = tpu.memref_slice %arg5[%dma_start3A, %multiple_of3A] : memref<300x100000xf32, #tpu.memory_space<hbm>> -> memref<300x128xf32, #tpu.memory_space<hbm>>
    %dma_start3A_20 = arith.constant 0 : i32
    %dma_start3A_21 = tpu.memref_slice %arg5[%dma_start3A_20, %multiple_of3A] : memref<300x100000xf32, #tpu.memory_space<hbm>> -> memref<300x128xf32, #tpu.memory_space<hbm>>
    tpu.enqueue_dma source(%dma_start3A_21 : memref<300x128xf32, #tpu.memory_space<hbm>>) target(%arg10 : memref<300x128xf32, #tpu.memory_space<vmem>>) target_semaphore(%arg15 : memref<!tpu.dma_semaphore, #tpu.memory_space<semaphore_mem>>)
    %sub3A_22 = arith.subi %squeeze3A, %multiple_of3A : i32
    %get3A = arith.constant 0 : i32
    %get3A_23 = arith.index_cast %get3A : i32 to index
    %get3A_24 = arith.constant 0 : index
    %get3A_25 = tpu.vector_load %arg8[%get3A_23, %get3A_24] {strides = array<i32>} : memref<1x300xf32, #tpu.memory_space<vmem>>, vector<16xf32>,
    %get3A_26 = arith.constant 0 : i32
    %get3A_27 = arith.index_cast %get3A_26 : i32 to index
    %get3A_28 = arith.constant 16 : index
    %get3A_29 = tpu.vector_load %arg8[%get3A_27, %get3A_28] {strides = array<i32>} : memref<1x300xf32, #tpu.memory_space<vmem>>, vector<16xf32>,
    %get3A_30 = arith.constant 0 : i32
    %get3A_31 = arith.index_cast %get3A_30 : i32 to index
    %get3A_32 = arith.constant 32 : index
    %get3A_33 = tpu.vector_load %arg8[%get3A_31, %get3A_32] {strides = array<i32>} : memref<1x300xf32, #tpu.memory_space<vmem>>, vector<16xf32>,
    %get3A_34 = arith.constant 0 : i32
    %get3A_35 = arith.index_cast %get3A_34 : i32 to index
    %get3A_36 = arith.constant 48 : index
    %get3A_37 = tpu.vector_load %arg8[%get3A_35, %get3A_36] {strides = array<i32>} : memref<1x300xf32, #tpu.memory_space<vmem>>, vector<16xf32>,
    %get3A_38 = arith.constant 0 : i32
    %get3A_39 = arith.index_cast %get3A_38 : i32 to index
    %get3A_40 = arith.constant 64 : index
    %get3A_41 = tpu.vector_load %arg8[%get3A_39, %get3A_40] {strides = array<i32>} : memref<1x300xf32, #tpu.memory_space<vmem>>, vector<16xf32>,
    %get3A_42 = arith.constant 0 : i32
    %get3A_43 = arith.index_cast %get3A_42 : i32 to index
    %get3A_44 = arith.constant 80 : index
    %get3A_45 = tpu.vector_load %arg8[%get3A_43, %get3A_44] {strides = array<i32>} : memref<1x300xf32, #tpu.memory_space<vmem>>, vector<16xf32>,
    %get3A_46 = arith.constant 0 : i32
    %get3A_47 = arith.index_cast %get3A_46 : i32 to index
    %get3A_48 = arith.constant 96 : index
    %get3A_49 = tpu.vector_load %arg8[%get3A_47, %get3A_48] {strides = array<i32>} : memref<1x300xf32, #tpu.memory_space<vmem>>, vector<16xf32>,
    %get3A_50 = arith.constant 0 : i32
    %get3A_51 = arith.index_cast %get3A_50 : i32 to index
    %get3A_52 = arith.constant 112 : index
    %get3A_53 = tpu.vector_load %arg8[%get3A_51, %get3A_52] {strides = array<i32>} : memref<1x300xf32, #tpu.memory_space<vmem>>, vector<16xf32>,
    %get3A_54 = arith.constant 0 : i32
    %get3A_55 = arith.index_cast %get3A_54 : i32 to index
    %get3A_56 = arith.constant 128 : index
    %get3A_57 = tpu.vector_load %arg8[%get3A_55, %get3A_56] {strides = array<i32>} : memref<1x300xf32, #tpu.memory_space<vmem>>, vector<16xf32>,
    %get3A_58 = arith.constant 0 : i32
    %get3A_59 = arith.index_cast %get3A_58 : i32 to index
    %get3A_60 = arith.constant 144 : index
    %get3A_61 = tpu.vector_load %arg8[%get3A_59, %get3A_60] {strides = array<i32>} : memref<1x300xf32, #tpu.memory_space<vmem>>, vector<16xf32>,
    %get3A_62 = arith.constant 0 : i32
    %get3A_63 = arith.index_cast %get3A_62 : i32 to index
    %get3A_64 = arith.constant 160 : index
    %get3A_65 = tpu.vector_load %arg8[%get3A_63, %get3A_64] {strides = array<i32>} : memref<1x300xf32, #tpu.memory_space<vmem>>, vector<16xf32>,
    %get3A_66 = arith.constant 0 : i32
    %get3A_67 = arith.index_cast %get3A_66 : i32 to index
    %get3A_68 = arith.constant 176 : index
    %get3A_69 = tpu.vector_load %arg8[%get3A_67, %get3A_68] {strides = array<i32>} : memref<1x300xf32, #tpu.memory_space<vmem>>, vector<16xf32>,
    %get3A_70 = arith.constant 0 : i32
    %get3A_71 = arith.index_cast %get3A_70 : i32 to index
    %get3A_72 = arith.constant 192 : index
    %get3A_73 = tpu.vector_load %arg8[%get3A_71, %get3A_72] {strides = array<i32>} : memref<1x300xf32, #tpu.memory_space<vmem>>, vector<16xf32>,
    %get3A_74 = arith.constant 0 : i32
    %get3A_75 = arith.index_cast %get3A_74 : i32 to index
    %get3A_76 = arith.constant 208 : index
    %get3A_77 = tpu.vector_load %arg8[%get3A_75, %get3A_76] {strides = array<i32>} : memref<1x300xf32, #tpu.memory_space<vmem>>, vector<16xf32>,
    %get3A_78 = arith.constant 0 : i32
    %get3A_79 = arith.index_cast %get3A_78 : i32 to index
    %get3A_80 = arith.constant 224 : index
    %get3A_81 = tpu.vector_load %arg8[%get3A_79, %get3A_80] {strides = array<i32>} : memref<1x300xf32, #tpu.memory_space<vmem>>, vector<16xf32>,
    %get3A_82 = arith.constant 0 : i32
    %get3A_83 = arith.index_cast %get3A_82 : i32 to index
    %get3A_84 = arith.constant 240 : index
    %get3A_85 = tpu.vector_load %arg8[%get3A_83, %get3A_84] {strides = array<i32>} : memref<1x300xf32, #tpu.memory_space<vmem>>, vector<16xf32>,
    %get3A_86 = arith.constant 0 : i32
    %get3A_87 = arith.index_cast %get3A_86 : i32 to index
    %get3A_88 = arith.constant 256 : index
    %get3A_89 = tpu.vector_load %arg8[%get3A_87, %get3A_88] {strides = array<i32>} : memref<1x300xf32, #tpu.memory_space<vmem>>, vector<16xf32>,
    %get3A_90 = arith.constant 0 : i32
    %get3A_91 = arith.index_cast %get3A_90 : i32 to index
    %get3A_92 = arith.constant 272 : index
    %get3A_93 = tpu.vector_load %arg8[%get3A_91, %get3A_92] {strides = array<i32>} : memref<1x300xf32, #tpu.memory_space<vmem>>, vector<16xf32>,
    %lt3A = arith.constant 4 : i32
    %lt3A_94 = vector.broadcast %lt3A : i32 to vector<16xi32>
    %lt3A_95 = arith.cmpi slt, %iota3A, %lt3A_94 : vector<16xi32>
    %broadcast_in_dim3A_96 = arith.constant 0.000000e+00 : f32
    %broadcast_in_dim3A_97 = vector.broadcast %broadcast_in_dim3A_96 : f32 to vector<16xf32>
    %get3A_98 = arith.constant 0 : i32
    %get3A_99 = arith.index_cast %get3A_98 : i32 to index
    %get3A_100 = arith.constant 284 : index
    %get3A_101 = tpu.vector_load %arg8[%get3A_99, %get3A_100] {strides = array<i32>} : memref<1x300xf32, #tpu.memory_space<vmem>>, vector<16xf32>,
    %select_n3A_102 = arith.select %lt3A_95, %broadcast_in_dim3A_97, %get3A_101 : vector<16xi1>, vector<16xf32>
    %dma_wait3A = arith.constant 0 : i32
    %dma_wait3A_103 = tpu.memref_slice %arg5[%dma_wait3A, %multiple_of3A] : memref<300x100000xf32, #tpu.memory_space<hbm>> -> memref<300x128xf32, #tpu.memory_space<hbm>>
    %dma_wait3A_104 = arith.constant 0 : i32
    %dma_wait3A_105 = tpu.memref_slice %arg5[%dma_wait3A_104, %multiple_of3A] : memref<300x100000xf32, #tpu.memory_space<hbm>> -> memref<300x128xf32, #tpu.memory_space<hbm>>
    tpu.wait_dma2 semaphore(%arg15 : memref<!tpu.dma_semaphore, #tpu.memory_space<semaphore_mem>>) src(%dma_wait3A_105 : memref<300x128xf32, #tpu.memory_space<hbm>>) dst(%arg10 : memref<300x128xf32, #tpu.memory_space<vmem>>)
    %broadcast_in_dim3A_106 = vector.broadcast %sub3A_22 : i32 to vector<16xi32>
    %gather3A_107 = tpu.vector_load_idx %arg10[%iota3A, %broadcast_in_dim3A_106] : memref<300x128xf32, #tpu.memory_space<vmem>>[vector<16xi32>, vector<16xi32>], vector<16xf32>,
    %mul3A_108 = arith.mulf %gather3A_107, %get3A_25 : vector<16xf32>
    %add3A_109 = arith.constant 16 : i32
    %add3A_110 = vector.broadcast %add3A_109 : i32 to vector<16xi32>
    %add3A_111 = arith.addi %add3A_110, %iota3A : vector<16xi32>
    %gather3A_112 = tpu.vector_load_idx %arg10[%add3A_111, %broadcast_in_dim3A_106] : memref<300x128xf32, #tpu.memory_space<vmem>>[vector<16xi32>, vector<16xi32>], vector<16xf32>,
    %mul3A_113 = arith.mulf %gather3A_112, %get3A_29 : vector<16xf32>
    %add3A_114 = arith.addf %mul3A_108, %mul3A_113 : vector<16xf32>
    %add3A_115 = arith.constant 32 : i32
    %add3A_116 = vector.broadcast %add3A_115 : i32 to vector<16xi32>
    %add3A_117 = arith.addi %add3A_116, %iota3A : vector<16xi32>
    %gather3A_118 = tpu.vector_load_idx %arg10[%add3A_117, %broadcast_in_dim3A_106] : memref<300x128xf32, #tpu.memory_space<vmem>>[vector<16xi32>, vector<16xi32>], vector<16xf32>,
    %mul3A_119 = arith.mulf %gather3A_118, %get3A_33 : vector<16xf32>
    %add3A_120 = arith.addf %add3A_114, %mul3A_119 : vector<16xf32>
    %add3A_121 = arith.constant 48 : i32
    %add3A_122 = vector.broadcast %add3A_121 : i32 to vector<16xi32>
    %add3A_123 = arith.addi %add3A_122, %iota3A : vector<16xi32>
    %gather3A_124 = tpu.vector_load_idx %arg10[%add3A_123, %broadcast_in_dim3A_106] : memref<300x128xf32, #tpu.memory_space<vmem>>[vector<16xi32>, vector<16xi32>], vector<16xf32>,
    %mul3A_125 = arith.mulf %gather3A_124, %get3A_37 : vector<16xf32>
    %add3A_126 = arith.addf %add3A_120, %mul3A_125 : vector<16xf32>
    %add3A_127 = arith.constant 64 : i32
    %add3A_128 = vector.broadcast %add3A_127 : i32 to vector<16xi32>
    %add3A_129 = arith.addi %add3A_128, %iota3A : vector<16xi32>
    %gather3A_130 = tpu.vector_load_idx %arg10[%add3A_129, %broadcast_in_dim3A_106] : memref<300x128xf32, #tpu.memory_space<vmem>>[vector<16xi32>, vector<16xi32>], vector<16xf32>,
    %mul3A_131 = arith.mulf %gather3A_130, %get3A_41 : vector<16xf32>
    %add3A_132 = arith.addf %add3A_126, %mul3A_131 : vector<16xf32>
    %add3A_133 = arith.constant 80 : i32
    %add3A_134 = vector.broadcast %add3A_133 : i32 to vector<16xi32>
    %add3A_135 = arith.addi %add3A_134, %iota3A : vector<16xi32>
    %gather3A_136 = tpu.vector_load_idx %arg10[%add3A_135, %broadcast_in_dim3A_106] : memref<300x128xf32, #tpu.memory_space<vmem>>[vector<16xi32>, vector<16xi32>], vector<16xf32>,
    %mul3A_137 = arith.mulf %gather3A_136, %get3A_45 : vector<16xf32>
    %add3A_138 = arith.addf %add3A_132, %mul3A_137 : vector<16xf32>
    %add3A_139 = arith.constant 96 : i32
    %add3A_140 = vector.broadcast %add3A_139 : i32 to vector<16xi32>
    %add3A_141 = arith.addi %add3A_140, %iota3A : vector<16xi32>
    %gather3A_142 = tpu.vector_load_idx %arg10[%add3A_141, %broadcast_in_dim3A_106] : memref<300x128xf32, #tpu.memory_space<vmem>>[vector<16xi32>, vector<16xi32>], vector<16xf32>,
    %mul3A_143 = arith.mulf %gather3A_142, %get3A_49 : vector<16xf32>
    %add3A_144 = arith.addf %add3A_138, %mul3A_143 : vector<16xf32>
    %add3A_145 = arith.constant 112 : i32
    %add3A_146 = vector.broadcast %add3A_145 : i32 to vector<16xi32>
    %add3A_147 = arith.addi %add3A_146, %iota3A : vector<16xi32>
    %gather3A_148 = tpu.vector_load_idx %arg10[%add3A_147, %broadcast_in_dim3A_106] : memref<300x128xf32, #tpu.memory_space<vmem>>[vector<16xi32>, vector<16xi32>], vector<16xf32>,
    %mul3A_149 = arith.mulf %gather3A_148, %get3A_53 : vector<16xf32>
    %add3A_150 = arith.addf %add3A_144, %mul3A_149 : vector<16xf32>
    %add3A_151 = arith.constant 128 : i32
    %add3A_152 = vector.broadcast %add3A_151 : i32 to vector<16xi32>
    %add3A_153 = arith.addi %add3A_152, %iota3A : vector<16xi32>
    %gather3A_154 = tpu.vector_load_idx %arg10[%add3A_153, %broadcast_in_dim3A_106] : memref<300x128xf32, #tpu.memory_space<vmem>>[vector<16xi32>, vector<16xi32>], vector<16xf32>,
    %mul3A_155 = arith.mulf %gather3A_154, %get3A_57 : vector<16xf32>
    %add3A_156 = arith.addf %add3A_150, %mul3A_155 : vector<16xf32>
    %add3A_157 = arith.constant 144 : i32
    %add3A_158 = vector.broadcast %add3A_157 : i32 to vector<16xi32>
    %add3A_159 = arith.addi %add3A_158, %iota3A : vector<16xi32>
    %gather3A_160 = tpu.vector_load_idx %arg10[%add3A_159, %broadcast_in_dim3A_106] : memref<300x128xf32, #tpu.memory_space<vmem>>[vector<16xi32>, vector<16xi32>], vector<16xf32>,
    %mul3A_161 = arith.mulf %gather3A_160, %get3A_61 : vector<16xf32>
    %add3A_162 = arith.addf %add3A_156, %mul3A_161 : vector<16xf32>
    %add3A_163 = arith.constant 160 : i32
    %add3A_164 = vector.broadcast %add3A_163 : i32 to vector<16xi32>
    %add3A_165 = arith.addi %add3A_164, %iota3A : vector<16xi32>
    %gather3A_166 = tpu.vector_load_idx %arg10[%add3A_165, %broadcast_in_dim3A_106] : memref<300x128xf32, #tpu.memory_space<vmem>>[vector<16xi32>, vector<16xi32>], vector<16xf32>,
    %mul3A_167 = arith.mulf %gather3A_166, %get3A_65 : vector<16xf32>
    %add3A_168 = arith.addf %add3A_162, %mul3A_167 : vector<16xf32>
    %add3A_169 = arith.constant 176 : i32
    %add3A_170 = vector.broadcast %add3A_169 : i32 to vector<16xi32>
    %add3A_171 = arith.addi %add3A_170, %iota3A : vector<16xi32>
    %gather3A_172 = tpu.vector_load_idx %arg10[%add3A_171, %broadcast_in_dim3A_106] : memref<300x128xf32, #tpu.memory_space<vmem>>[vector<16xi32>, vector<16xi32>], vector<16xf32>,
    %mul3A_173 = arith.mulf %gather3A_172, %get3A_69 : vector<16xf32>
    %add3A_174 = arith.addf %add3A_168, %mul3A_173 : vector<16xf32>
    %add3A_175 = arith.constant 192 : i32
    %add3A_176 = vector.broadcast %add3A_175 : i32 to vector<16xi32>
    %add3A_177 = arith.addi %add3A_176, %iota3A : vector<16xi32>
    %gather3A_178 = tpu.vector_load_idx %arg10[%add3A_177, %broadcast_in_dim3A_106] : memref<300x128xf32, #tpu.memory_space<vmem>>[vector<16xi32>, vector<16xi32>], vector<16xf32>,
    %mul3A_179 = arith.mulf %gather3A_178, %get3A_73 : vector<16xf32>
    %add3A_180 = arith.addf %add3A_174, %mul3A_179 : vector<16xf32>
    %add3A_181 = arith.constant 208 : i32
    %add3A_182 = vector.broadcast %add3A_181 : i32 to vector<16xi32>
    %add3A_183 = arith.addi %add3A_182, %iota3A : vector<16xi32>
    %gather3A_184 = tpu.vector_load_idx %arg10[%add3A_183, %broadcast_in_dim3A_106] : memref<300x128xf32, #tpu.memory_space<vmem>>[vector<16xi32>, vector<16xi32>], vector<16xf32>,
    %mul3A_185 = arith.mulf %gather3A_184, %get3A_77 : vector<16xf32>
    %add3A_186 = arith.addf %add3A_180, %mul3A_185 : vector<16xf32>
    %add3A_187 = arith.constant 224 : i32
    %add3A_188 = vector.broadcast %add3A_187 : i32 to vector<16xi32>
    %add3A_189 = arith.addi %add3A_188, %iota3A : vector<16xi32>
    %gather3A_190 = tpu.vector_load_idx %arg10[%add3A_189, %broadcast_in_dim3A_106] : memref<300x128xf32, #tpu.memory_space<vmem>>[vector<16xi32>, vector<16xi32>], vector<16xf32>,
    %mul3A_191 = arith.mulf %gather3A_190, %get3A_81 : vector<16xf32>
    %add3A_192 = arith.addf %add3A_186, %mul3A_191 : vector<16xf32>
    %add3A_193 = arith.constant 240 : i32
    %add3A_194 = vector.broadcast %add3A_193 : i32 to vector<16xi32>
    %add3A_195 = arith.addi %add3A_194, %iota3A : vector<16xi32>
    %gather3A_196 = tpu.vector_load_idx %arg10[%add3A_195, %broadcast_in_dim3A_106] : memref<300x128xf32, #tpu.memory_space<vmem>>[vector<16xi32>, vector<16xi32>], vector<16xf32>,
    %mul3A_197 = arith.mulf %gather3A_196, %get3A_85 : vector<16xf32>
    %add3A_198 = arith.addf %add3A_192, %mul3A_197 : vector<16xf32>
    %add3A_199 = arith.constant 256 : i32
    %add3A_200 = vector.broadcast %add3A_199 : i32 to vector<16xi32>
    %add3A_201 = arith.addi %add3A_200, %iota3A : vector<16xi32>
    %gather3A_202 = tpu.vector_load_idx %arg10[%add3A_201, %broadcast_in_dim3A_106] : memref<300x128xf32, #tpu.memory_space<vmem>>[vector<16xi32>, vector<16xi32>], vector<16xf32>,
    %mul3A_203 = arith.mulf %gather3A_202, %get3A_89 : vector<16xf32>
    %add3A_204 = arith.addf %add3A_198, %mul3A_203 : vector<16xf32>
    %add3A_205 = arith.constant 272 : i32
    %add3A_206 = vector.broadcast %add3A_205 : i32 to vector<16xi32>
    %add3A_207 = arith.addi %add3A_206, %iota3A : vector<16xi32>
    %gather3A_208 = tpu.vector_load_idx %arg10[%add3A_207, %broadcast_in_dim3A_106] : memref<300x128xf32, #tpu.memory_space<vmem>>[vector<16xi32>, vector<16xi32>], vector<16xf32>,
    %mul3A_209 = arith.mulf %gather3A_208, %get3A_93 : vector<16xf32>
    %add3A_210 = arith.addf %add3A_204, %mul3A_209 : vector<16xf32>
    %add3A_211 = arith.constant 284 : i32
    %add3A_212 = vector.broadcast %add3A_211 : i32 to vector<16xi32>
    %add3A_213 = arith.addi %add3A_212, %iota3A : vector<16xi32>
    %gather3A_214 = tpu.vector_load_idx %arg10[%add3A_213, %broadcast_in_dim3A_106] : memref<300x128xf32, #tpu.memory_space<vmem>>[vector<16xi32>, vector<16xi32>], vector<16xf32>,
    %mul3A_215 = arith.mulf %gather3A_214, %select_n3A_102 : vector<16xf32>
    %add3A_216 = arith.addf %add3A_210, %mul3A_215 : vector<16xf32>
    %swap3A = arith.constant 0 : index
    %swap3A_217 = tpu.vector_load %arg11[%swap3A] {strides = array<i32>} : memref<16xf32, #tpu.memory_space<vmem>>, vector<16xf32>,
    tpu.vector_store %arg11[%swap3A], %add3A_216 {strides = array<i32>} : memref<16xf32, #tpu.memory_space<vmem>>, vector<16xf32>,
    %mul3A_218 = arith.constant 16 : i32
    %mul3A_219 = arith.muli %arg1, %mul3A_218 : i32
    %multiple_of3A_220 = tpu.assume_multiple %mul3A_219, 16 : i32
    "tpu.region"() ({
      %run_scoped3A = tpu.sem_alloc : memref<!tpu.dma_semaphore, #tpu.memory_space<semaphore_mem>>
      %dma_start3A_223 = tpu.memref_slice %arg14[%multiple_of3A_220] : memref<256xf32, #tpu.memory_space<vmem_shared>> -> memref<16xf32, #tpu.memory_space<vmem_shared>>
      %dma_start3A_224 = tpu.memref_slice %arg14[%multiple_of3A_220] : memref<256xf32, #tpu.memory_space<vmem_shared>> -> memref<16xf32, #tpu.memory_space<vmem_shared>>
      tpu.enqueue_dma source(%arg11 : memref<16xf32, #tpu.memory_space<vmem>>) target(%dma_start3A_224 : memref<16xf32, #tpu.memory_space<vmem_shared>>) target_semaphore(%run_scoped3A : memref<!tpu.dma_semaphore, #tpu.memory_space<semaphore_mem>>)
      %dma_wait3A_225 = tpu.memref_slice %arg14[%multiple_of3A_220] : memref<256xf32, #tpu.memory_space<vmem_shared>> -> memref<16xf32, #tpu.memory_space<vmem_shared>>
      %dma_wait3A_226 = tpu.memref_slice %arg14[%multiple_of3A_220] : memref<256xf32, #tpu.memory_space<vmem_shared>> -> memref<16xf32, #tpu.memory_space<vmem_shared>>
      tpu.wait_dma2 semaphore(%run_scoped3A : memref<!tpu.dma_semaphore, #tpu.memory_space<semaphore_mem>>) src(%arg11 : memref<16xf32, #tpu.memory_space<vmem>>) dst(%dma_wait3A_226 : memref<16xf32, #tpu.memory_space<vmem_shared>>)
      tpu.yield
    }) : () -> ()
    %barrier3A = arith.constant 0 : index
    tpu.barrier barrier_id(%barrier3A)
    %eq3A = arith.constant 0 : i32
    %eq3A_221 = arith.cmpi eq, %arg1, %eq3A : i32
    %convert_element_type3A = arith.extui %eq3A_221 : i1 to i32
    %cond3A = arith.constant 0 : i32
    %cond3A_222 = arith.cmpi ne, %convert_element_type3A, %cond3A : i32
    scf.if %cond3A_222 {
      "tpu.region"() ({
        %run_scoped3A = tpu.sem_alloc : memref<!tpu.dma_semaphore, #tpu.memory_space<semaphore_mem>>
        tpu.enqueue_dma source(%arg4 : memref<1xf32, #tpu.memory_space<hbm>>) target(%arg9 : memref<1xf32, #tpu.memory_space<vmem>>) target_semaphore(%run_scoped3A : memref<!tpu.dma_semaphore, #tpu.memory_space<semaphore_mem>>)
        tpu.wait_dma2 semaphore(%run_scoped3A : memref<!tpu.dma_semaphore, #tpu.memory_space<semaphore_mem>>) src(%arg4 : memref<1xf32, #tpu.memory_space<hbm>>) dst(%arg9 : memref<1xf32, #tpu.memory_space<vmem>>)
        tpu.yield
      }) : () -> ()
      "tpu.region"() ({
        %run_scoped3A = tpu.sem_alloc : memref<!tpu.dma_semaphore, #tpu.memory_space<semaphore_mem>>
        tpu.enqueue_dma source(%arg14 : memref<256xf32, #tpu.memory_space<vmem_shared>>) target(%arg12 : memref<256xf32, #tpu.memory_space<vmem>>) target_semaphore(%run_scoped3A : memref<!tpu.dma_semaphore, #tpu.memory_space<semaphore_mem>>)
        tpu.wait_dma2 semaphore(%run_scoped3A : memref<!tpu.dma_semaphore, #tpu.memory_space<semaphore_mem>>) src(%arg14 : memref<256xf32, #tpu.memory_space<vmem_shared>>) dst(%arg12 : memref<256xf32, #tpu.memory_space<vmem>>)
        tpu.yield
      }) : () -> ()
      %broadcast_in_dim3A_223 = arith.constant 0 : i32
      %broadcast_in_dim3A_224 = vector.broadcast %broadcast_in_dim3A_223 : i32 to vector<16xi32>
      %gather3A_225 = tpu.vector_load_idx %arg9[%broadcast_in_dim3A_224] : memref<1xf32, #tpu.memory_space<vmem>>[vector<16xi32>], vector<16xf32>,
      %mul3A_226 = arith.constant 16 : i32
      %mul3A_227 = vector.broadcast %mul3A_226 : i32 to vector<16xi32>
      %mul3A_228 = arith.muli %iota3A, %mul3A_227 : vector<16xi32>
      %gather3A_229 = tpu.vector_load_idx %arg12[%mul3A_228] : memref<256xf32, #tpu.memory_space<vmem>>[vector<16xi32>], vector<16xf32>,
      %add3A_230 = arith.constant 1 : i32
      %add3A_231 = vector.broadcast %add3A_230 : i32 to vector<16xi32>
      %add3A_232 = arith.addi %mul3A_228, %add3A_231 : vector<16xi32>
      %gather3A_233 = tpu.vector_load_idx %arg12[%add3A_232] : memref<256xf32, #tpu.memory_space<vmem>>[vector<16xi32>], vector<16xf32>,
      %add3A_234 = arith.addf %gather3A_229, %gather3A_233 : vector<16xf32>
      %add3A_235 = arith.constant 2 : i32
      %add3A_236 = vector.broadcast %add3A_235 : i32 to vector<16xi32>
      %add3A_237 = arith.addi %mul3A_228, %add3A_236 : vector<16xi32>
      %gather3A_238 = tpu.vector_load_idx %arg12[%add3A_237] : memref<256xf32, #tpu.memory_space<vmem>>[vector<16xi32>], vector<16xf32>,
      %add3A_239 = arith.addf %add3A_234, %gather3A_238 : vector<16xf32>
      %add3A_240 = arith.constant 3 : i32
      %add3A_241 = vector.broadcast %add3A_240 : i32 to vector<16xi32>
      %add3A_242 = arith.addi %mul3A_228, %add3A_241 : vector<16xi32>
      %gather3A_243 = tpu.vector_load_idx %arg12[%add3A_242] : memref<256xf32, #tpu.memory_space<vmem>>[vector<16xi32>], vector<16xf32>,
      %add3A_244 = arith.addf %add3A_239, %gather3A_243 : vector<16xf32>
      %add3A_245 = arith.constant 4 : i32
      %add3A_246 = vector.broadcast %add3A_245 : i32 to vector<16xi32>
      %add3A_247 = arith.addi %mul3A_228, %add3A_246 : vector<16xi32>
      %gather3A_248 = tpu.vector_load_idx %arg12[%add3A_247] : memref<256xf32, #tpu.memory_space<vmem>>[vector<16xi32>], vector<16xf32>,
      %add3A_249 = arith.addf %add3A_244, %gather3A_248 : vector<16xf32>
      %add3A_250 = arith.constant 5 : i32
      %add3A_251 = vector.broadcast %add3A_250 : i32 to vector<16xi32>
      %add3A_252 = arith.addi %mul3A_228, %add3A_251 : vector<16xi32>
      %gather3A_253 = tpu.vector_load_idx %arg12[%add3A_252] : memref<256xf32, #tpu.memory_space<vmem>>[vector<16xi32>], vector<16xf32>,
      %add3A_254 = arith.addf %add3A_249, %gather3A_253 : vector<16xf32>
      %add3A_255 = arith.constant 6 : i32
      %add3A_256 = vector.broadcast %add3A_255 : i32 to vector<16xi32>
      %add3A_257 = arith.addi %mul3A_228, %add3A_256 : vector<16xi32>
      %gather3A_258 = tpu.vector_load_idx %arg12[%add3A_257] : memref<256xf32, #tpu.memory_space<vmem>>[vector<16xi32>], vector<16xf32>,
      %add3A_259 = arith.addf %add3A_254, %gather3A_258 : vector<16xf32>
      %add3A_260 = arith.constant 7 : i32
      %add3A_261 = vector.broadcast %add3A_260 : i32 to vector<16xi32>
      %add3A_262 = arith.addi %mul3A_228, %add3A_261 : vector<16xi32>
      %gather3A_263 = tpu.vector_load_idx %arg12[%add3A_262] : memref<256xf32, #tpu.memory_space<vmem>>[vector<16xi32>], vector<16xf32>,
      %add3A_264 = arith.addf %add3A_259, %gather3A_263 : vector<16xf32>
      %add3A_265 = arith.constant 8 : i32
      %add3A_266 = vector.broadcast %add3A_265 : i32 to vector<16xi32>
      %add3A_267 = arith.addi %mul3A_228, %add3A_266 : vector<16xi32>
      %gather3A_268 = tpu.vector_load_idx %arg12[%add3A_267] : memref<256xf32, #tpu.memory_space<vmem>>[vector<16xi32>], vector<16xf32>,
      %add3A_269 = arith.addf %add3A_264, %gather3A_268 : vector<16xf32>
      %add3A_270 = arith.constant 9 : i32
      %add3A_271 = vector.broadcast %add3A_270 : i32 to vector<16xi32>
      %add3A_272 = arith.addi %mul3A_228, %add3A_271 : vector<16xi32>
      %gather3A_273 = tpu.vector_load_idx %arg12[%add3A_272] : memref<256xf32, #tpu.memory_space<vmem>>[vector<16xi32>], vector<16xf32>,
      %add3A_274 = arith.addf %add3A_269, %gather3A_273 : vector<16xf32>
      %add3A_275 = arith.constant 10 : i32
      %add3A_276 = vector.broadcast %add3A_275 : i32 to vector<16xi32>
      %add3A_277 = arith.addi %mul3A_228, %add3A_276 : vector<16xi32>
      %gather3A_278 = tpu.vector_load_idx %arg12[%add3A_277] : memref<256xf32, #tpu.memory_space<vmem>>[vector<16xi32>], vector<16xf32>,
      %add3A_279 = arith.addf %add3A_274, %gather3A_278 : vector<16xf32>
      %add3A_280 = arith.constant 11 : i32
      %add3A_281 = vector.broadcast %add3A_280 : i32 to vector<16xi32>
      %add3A_282 = arith.addi %mul3A_228, %add3A_281 : vector<16xi32>
      %gather3A_283 = tpu.vector_load_idx %arg12[%add3A_282] : memref<256xf32, #tpu.memory_space<vmem>>[vector<16xi32>], vector<16xf32>,
      %add3A_284 = arith.addf %add3A_279, %gather3A_283 : vector<16xf32>
      %add3A_285 = arith.constant 12 : i32
      %add3A_286 = vector.broadcast %add3A_285 : i32 to vector<16xi32>
      %add3A_287 = arith.addi %mul3A_228, %add3A_286 : vector<16xi32>
      %gather3A_288 = tpu.vector_load_idx %arg12[%add3A_287] : memref<256xf32, #tpu.memory_space<vmem>>[vector<16xi32>], vector<16xf32>,
      %add3A_289 = arith.addf %add3A_284, %gather3A_288 : vector<16xf32>
      %add3A_290 = arith.constant 13 : i32
      %add3A_291 = vector.broadcast %add3A_290 : i32 to vector<16xi32>
      %add3A_292 = arith.addi %mul3A_228, %add3A_291 : vector<16xi32>
      %gather3A_293 = tpu.vector_load_idx %arg12[%add3A_292] : memref<256xf32, #tpu.memory_space<vmem>>[vector<16xi32>], vector<16xf32>,
      %add3A_294 = arith.addf %add3A_289, %gather3A_293 : vector<16xf32>
      %add3A_295 = arith.constant 14 : i32
      %add3A_296 = vector.broadcast %add3A_295 : i32 to vector<16xi32>
      %add3A_297 = arith.addi %mul3A_228, %add3A_296 : vector<16xi32>
      %gather3A_298 = tpu.vector_load_idx %arg12[%add3A_297] : memref<256xf32, #tpu.memory_space<vmem>>[vector<16xi32>], vector<16xf32>,
      %add3A_299 = arith.addf %add3A_294, %gather3A_298 : vector<16xf32>
      %add3A_300 = arith.constant 15 : i32
      %add3A_301 = vector.broadcast %add3A_300 : i32 to vector<16xi32>
      %add3A_302 = arith.addi %mul3A_228, %add3A_301 : vector<16xi32>
      %gather3A_303 = tpu.vector_load_idx %arg12[%add3A_302] : memref<256xf32, #tpu.memory_space<vmem>>[vector<16xi32>], vector<16xf32>,
      %add3A_304 = arith.addf %add3A_299, %gather3A_303 : vector<16xf32>
      %add3A_305 = arith.addf %add3A_304, %gather3A_225 : vector<16xf32>
      %neg3A = arith.constant 0.000000e+00 : f32
      %neg3A_306 = vector.broadcast %neg3A : f32 to vector<16xf32>
      %neg3A_307 = arith.subf %neg3A_306, %add3A_305 : vector<16xf32>
      %exp3A = math.exp %neg3A_307 : vector<16xf32>
      %add3A_308 = arith.constant 1.000000e+00 : f32
      %add3A_309 = vector.broadcast %add3A_308 : f32 to vector<16xf32>
      %add3A_310 = arith.addf %add3A_309, %exp3A : vector<16xf32>
      %div3A_311 = arith.constant 1.000000e+00 : f32
      %div3A_312 = vector.broadcast %div3A_311 : f32 to vector<16xf32>
      %div3A_313 = arith.divf %div3A_312, %add3A_310 : vector<16xf32>
      %swap3A_314 = arith.constant 0 : index
      %swap3A_315 = tpu.vector_load %arg13[%swap3A_314] {strides = array<i32>} : memref<16xf32, #tpu.memory_space<vmem>>, vector<16xf32>,
      tpu.vector_store %arg13[%swap3A_314], %div3A_313 {strides = array<i32>} : memref<16xf32, #tpu.memory_space<vmem>>, vector<16xf32>,
      %mul3A_316 = arith.constant 16 : i32
      %mul3A_317 = arith.muli %arg0, %mul3A_316 : i32
      %multiple_of3A_318 = tpu.assume_multiple %mul3A_317, 16 : i32
      "tpu.region"() ({
        %run_scoped3A = tpu.sem_alloc : memref<!tpu.dma_semaphore, #tpu.memory_space<semaphore_mem>>
        %dma_start3A_319 = tpu.memref_slice %arg6[%multiple_of3A_318] : memref<32xf32, #tpu.memory_space<hbm>> -> memref<16xf32, #tpu.memory_space<hbm>>
        %dma_start3A_320 = tpu.memref_slice %arg6[%multiple_of3A_318] : memref<32xf32, #tpu.memory_space<hbm>> -> memref<16xf32, #tpu.memory_space<hbm>>
        tpu.enqueue_dma source(%arg13 : memref<16xf32, #tpu.memory_space<vmem>>) target(%dma_start3A_320 : memref<16xf32, #tpu.memory_space<hbm>>) target_semaphore(%run_scoped3A : memref<!tpu.dma_semaphore, #tpu.memory_space<semaphore_mem>>)
        %dma_wait3A_321 = tpu.memref_slice %arg6[%multiple_of3A_318] : memref<32xf32, #tpu.memory_space<hbm>> -> memref<16xf32, #tpu.memory_space<hbm>>
        %dma_wait3A_322 = tpu.memref_slice %arg6[%multiple_of3A_318] : memref<32xf32, #tpu.memory_space<hbm>> -> memref<16xf32, #tpu.memory_space<hbm>>
        tpu.wait_dma2 semaphore(%run_scoped3A : memref<!tpu.dma_semaphore, #tpu.memory_space<semaphore_mem>>) src(%arg13 : memref<16xf32, #tpu.memory_space<vmem>>) dst(%dma_wait3A_322 : memref<16xf32, #tpu.memory_space<hbm>>)
        tpu.yield
      }) : () -> ()
    } else {
    }
    return
  }
}

</mosaic_0001>

<sc_bundles>
// kernel: kernel.3.cloned.1.call-start
scs
__scs_entry_jumppad:
0x0: {  	(pc) =	sbr.rel $0x88, $3  }
0x1: {  	(tag) =	ssettag $0x0;
	lr =	simm.s32 $0x1  }
0x2: {  	[smem:$0x3F9D] =	sst lr;
	_ =	strace $0xD0000000  }
0x3: {  	_ = 	snop  }
0x4: {  	_ = 	snop  }
0x5: {  	_ = 	snop  }
0x6: {  	_ = 	snop  }
0x7: {  	_ = 	snop  }
__scs_overlays_trampoline_lowered:
0x8: {  	[smem:$0x3FAC] =	sst s0  }
0x9: {  	[smem:$0x3FAD] =	sst s1  }
0xa: {  	[smem:$0x3FAE] =	sst s2  }
0xb: {  	[smem:$0x3FAF] =	sst s3  }
0xc: {  	[smem:$0x3FB0] =	sst s4  }
0xd: {  	[smem:$0x3FB1] =	sst s5  }
0xe: {  	[smem:$0x3FB2] =	sst s6  }
0xf: {  	[smem:$0x3FB3] =	sst s7  }
0x10: {  	[smem:$0x3FB4] =	sst s8  }
0x11: {  	[smem:$0x3FB5] =	sst s9;
	s0 =	simm.s32 @!p0 $0x0  }
0x12: {  	s1 =	sld [smem:$0x3F9B];
	s0 =	simm.s32 @p0 $0x1  }
0x13: {  	[smem:$0x3FB6] =	sst s0;
	s0 =	simm.s32 @!p1 $0x0  }
0x14: {  	s2 =	sld [smem:$0x3F9A];
	s0 =	simm.s32 @p1 $0x1  }
0x15: {  	[smem:$0x3FB7] =	sst s0;
	s0 =	simm.s32 @!p2 $0x0  }
0x16: {  	s3 =	sld [smem:$0x3FDB];
	s0 =	simm.s32 @p2 $0x1  }
0x17: {  	s4 =	simm.s32 $0x1BF5;
	[smem:$0x3FB9] =	sst s0  }
0x18: {  	s0 =	sld [smem:$0x3F9C];
	_ =	swait.ge [sflag:s4], $0x0  }
0x19: {  	s7 =	sld [smem:$0x3F9D]  }
0x1a: {  	s8 =	sadd.s32 $0xFFFFE003, lr  }
0x1b: {  	s9 =	sadd.s32 $0xFFFFFEF7, lr;
	s5 =	simm.s32 $0xFFFFFFFF;
	p2 =	slt.u32 s8, $0xFFFFF086  }
0x1c: {  	p1 =	slt.u32 s9, $0xF7A;
	s5 =	simm.s32 @!p2 $0x0  }
0x1d: {  	s5 =	simm.s32 @p1 $0x1;
	p0 =	seq.s32 s7, s2  }
0x1e: {  	s7 =	smul.u32 @!p0 $0xF7A, s2;
	p2 =	seq.s32 @!p0 s5, $0x0  }
0x1f: {  	s9 =	smul.u32 $0xF7A, s1;
	s8 =	simm.s32 @!p0 $0x1BF5;
	p2 =	por !p2, p0  }
0x20: {  	[sflag:s8] =	ssyncset.s32 @!p0 $0xFFFFF086;
	s6 =	sadd.s32 @!p0 s3, s7;
	s7 =	simm.s32 @!p0 $0x108  }
0x21: {  	s3 =	sadd.s32 s3, s9;
	s6 =	sadd.s32 @!p0 $0x88, s6;
	s7 =	simm.s32 @p2 $0x1082  }
0x22: {  	[simem:s7], [sflag:s8] =	dma.local @!p0 [hbm:s6], $0xF7A  }
0x23: {  	s9 =	sor.u32 $0xD0000000, s2;
	s6 =	simm.s32 $0x108;
	_ =	swait.ge @!p0 [sflag:s8], $0x0  }
0x24: {  	s3 =	sadd.s32 $0x88, s3;
	s6 =	simm.s32 @!p1 $0x1082;
	[sflag:s4] =	ssyncset.s32 $0xFFFFF086  }
0x25: {  	[simem:s6], [sflag:s4] =	dma.local [hbm:s3], $0xF7A  }
0x26: {  	[smem:$0x3F9D] =	sst s1;
	(tag) =	ssettag s2;
	_ =	strace s9  }
0x27: {  	s1 =	sld [smem:$0x3FAD]  }
0x28: {  	s2 =	sld [smem:$0x3FAE]  }
0x29: {  	s4 =	sld [smem:$0x3FB0]  }
0x2a: {  	p0 =	seq.s32 s5, $0x0;
	s5 =	sld [smem:$0x3FB1]  }
0x2b: {  	s6 =	sld [smem:$0x3FB2]  }
0x2c: {  	s7 =	sld [smem:$0x3FB3]  }
0x2d: {  	s3 =	simm.s32 $0x108;
	s8 =	sld [smem:$0x3FB4]  }
0x2e: {  	s3 =	simm.s32 @!p0 $0x1082;
	s9 =	sld [smem:$0x3FB5]  }
0x2f: {  	lr =	sadd.s32 s0, s3;
	s0 =	sld [smem:$0x3FAC]  }
0x30: {  	s3 =	sld [smem:$0x3FAF]  }
0x31: {  	[smem:$0x3FB8] =	sst s10  }
0x32: {  	s10 =	sld [smem:$0x3FB6];
	_ =	sdelay $0x3  }
0x33: {  	p0 =	seq.s32 s10, $0x1;
	s10 =	sld [smem:$0x3FB8];
	_ =	sdelay $0x3  }
0x34: {  	[smem:$0x3FB8] =	sst s10  }
0x35: {  	s10 =	sld [smem:$0x3FB7];
	_ =	sdelay $0x3  }
0x36: {  	p1 =	seq.s32 s10, $0x1;
	s10 =	sld [smem:$0x3FB8];
	_ =	sdelay $0x3  }
0x37: {  	[smem:$0x3FB8] =	sst s10  }
0x38: {  	s10 =	sld [smem:$0x3FB9]  }
0x39: {  	_ = 	snop;
	(pc) =	sbr.ind lr, $3  }
0x3a: {  	_ = 	snop  }
0x3b: {  	_ = 	snop  }
0x3c: {  	p2 =	seq.s32 s10, $0x1;
	s10 =	sld [smem:$0x3FB8]  }
0x3d: {  	_ =	shalt  }
0x3e: {  	_ =	shalt  }
0x3f: {  	_ =	shalt  }
0x40: {  	_ =	shalt  }
0x41: {  	_ =	shalt  }
0x42: {  	_ =	shalt  }
0x43: {  	_ =	shalt  }
0x44: {  	_ =	shalt  }
0x45: {  	_ =	shalt  }
0x46: {  	_ =	shalt  }
0x47: {  	_ =	shalt  }
0x48: {  	_ =	shalt  }
0x49: {  	_ =	shalt  }
0x4a: {  	_ =	shalt  }
0x4b: {  	_ =	shalt  }
0x4c: {  	_ =	shalt  }
0x4d: {  	_ =	shalt  }
0x4e: {  	_ =	shalt  }
0x4f: {  	_ =	shalt  }
0x50: {  	_ =	shalt  }
0x51: {  	_ =	shalt  }
0x52: {  	_ =	shalt  }
0x53: {  	_ =	shalt  }
0x54: {  	_ =	shalt  }
0x55: {  	_ =	shalt  }
0x56: {  	_ =	shalt  }
0x57: {  	_ =	shalt  }
0x58: {  	_ =	shalt  }
0x59: {  	_ =	shalt  }
0x5a: {  	_ =	shalt  }
0x5b: {  	_ =	shalt  }
0x5c: {  	_ =	shalt  }
0x5d: {  	_ =	shalt  }
0x5e: {  	_ =	shalt  }
0x5f: {  	_ =	shalt  }
0x60: {  	_ =	shalt  }
0x61: {  	_ =	shalt  }
0x62: {  	_ =	shalt  }
0x63: {  	_ =	shalt  }
0x64: {  	_ =	shalt  }
0x65: {  	_ =	shalt  }
0x66: {  	_ =	shalt  }
0x67: {  	_ =	shalt  }
0x68: {  	_ =	shalt  }
0x69: {  	_ =	shalt  }
0x6a: {  	_ =	shalt  }
0x6b: {  	_ =	shalt  }
0x6c: {  	_ =	shalt  }
0x6d: {  	_ =	shalt  }
0x6e: {  	_ =	shalt  }
0x6f: {  	_ =	shalt  }
0x70: {  	_ =	shalt  }
0x71: {  	_ =	shalt  }
0x72: {  	_ =	shalt  }
0x73: {  	_ =	shalt  }
0x74: {  	_ =	shalt  }
0x75: {  	_ =	shalt  }
0x76: {  	_ =	shalt  }
0x77: {  	_ =	shalt  }
0x78: {  	_ =	shalt  }
0x79: {  	_ =	shalt  }
0x7a: {  	_ =	shalt  }
0x7b: {  	_ =	shalt  }
0x7c: {  	_ =	shalt  }
0x7d: {  	_ =	shalt  }
0x7e: {  	_ =	shalt  }
0x7f: {  	_ =	shalt  }
0x80: {  	_ =	shalt  }
0x81: {  	_ =	shalt  }
0x82: {  	_ =	shalt  }
0x83: {  	_ =	shalt  }
0x84: {  	_ =	shalt  }
0x85: {  	_ =	shalt  }
0x86: {  	_ =	shalt  }
0x87: {  	_ =	shalt  }
.Lfunc_end0:
.L_simem_size_0:
called_computation_lowered:
.L_overlay_start_0:
0x88: {  	s2 =	sld [smem:$0x3FD9]  }
0x89: {  	s3 =	sld [smem:$0x3FFE];
	_ =	sdelay $0x1  }
0x8a: {  	s1 =	srdreg.scid  }
0x8b: {  	s0 =	sand.u32 $0x1, s1  }
0x8c: {  	s17 =	sshll.u32 s0, $0xA;
	s2 =	sadd.s32 s3, s2  }
0x8d: {  	s2 =	sadd.s32 s2, s17  }
0x8e: {  	[smem:$0x3FC4] =	sst s2  }
0x8f: {  	_ = 	snop  }
0x90: {  	s2 =	sld [smem:$0x3FC8]  }
0x91: {  	s18 =	sld [smem:$0x3FC7]  }
0x92: {  	s4 =	sld [smem:$0x3FC6]  }
0x93: {  	s5 =	sld [smem:$0x3FD0];
	(tm) =	ssettm $0x1  }
0x94: {  	s6 =	sld [smem:$0x3FFB];
	_ =	sdelay $0x3  }
0x95: {  	_ =	strace s6  }
0x96: {  	s6 =	sld [smem:$0x3FFC];
	_ =	sdelay $0x3  }
0x97: {  	_ =	strace s6  }
0x98: {  	s6 =	sld [smem:$0x3FFD];
	_ =	sdelay $0x3  }
0x99: {  	_ =	strace s6  }
0x9a: {  	_ =	strace $0x8FFFFFFF  }
0x9b: {  	s19 =	sld [smem:$0x3FDB];
	_ =	sdelay $0x1  }
0x9c: {  	s7 =	simm.s32 $_scs_section_size  }
0x9d: {  	s8 =	simm.s32 $_size__tile_overlayer_lowered;
	s9 =	simm.s32 $_tile_overlayer_lowered  }
0x9e: {  	s22 =	simm.s32 $0x1BFF;
	s21 =	sshll.u32 s9, $0x1;
	s6 =	sadd.s32 s7, s19  }
0x9f: {  	s10 =	simm.s32 $0x0;
	s20 =	sshll.u32 s8, $0x1;
	s8 =	sadd.s32 s21, s6  }
0xa0: {  	[timem:s10], [sflag:s22] =	dma.local [hbm:s8], s20  }
0xa1: {  	_ =	swait.ge [sflag:s22], s20  }
0xa2: {  	s7 =	ssub.s32 $0x0, s20;
	[sflag:s22] =	ssyncset.done $0x0  }
0xa3: {  	[sflag:s22] =	ssyncadd.s32 s7;
	_ =	sdelay $0x1  }
0xa4: {  	s23 =	simm.s32 $0x1B8B  }
0xa5: {  	_ =	swait.ge [sflag:s23], $0x1  }
0xa6: {  	[sflag:s23] =	ssyncset.done $0x0  }
0xa7: {  	s25 =	simm.s32 $0x1B8E;
	s24 =	sld [smem:$0x3FFE];
	[sflag:s23] =	ssyncadd.s32 $0xFFFFFFFF  }
0xa8: {  	s26 =	simm.s32 $execute0_lowered;
	[smem:$0x3FD2] =	sst s25  }
0xa9: {  	s8 =	sshll.u32 s26, $0x1;
	_ =	strace $0x80000046;
	[dreg:$0x1] =	wrdreg $0xFFFFFFFF  }
0xaa: {  	s28 =	simm.s32 $_size_execute0_lowered;
	s6 =	sadd.s32 s6, s8;
	[dreg:$0x0] =	wrdreg $0x0  }
0xab: {  	s8 =	sshll.u32 s28, $0x1;
	[dreg:$0x2] =	wrdreg s6  }
0xac: {  	[dreg:$0x3] =	wrdreg s8  }
0xad: {  	[dreg:$0x4] =	wrdreg $0xC0  }
0xae: {  	_ =	task [dreg:s10], $0x5FFFF  }
0xaf: {  	[dreg:$0x1] =	wrdreg $0xFFFFFFFF  }
0xb0: {  	[dreg:$0x0] =	wrdreg $0x60  }
0xb1: {  	[dreg:$0x2] =	wrdreg s24  }
0xb2: {  	[dreg:$0x3] =	wrdreg s18  }
0xb3: {  	[dreg:$0x4] =	wrdreg s4  }
0xb4: {  	[dreg:$0x5] =	wrdreg s2  }
0xb5: {  	[dreg:$0x6] =	wrdreg s5  }
0xb6: {  	[dreg:$0x7] =	wrdreg $0x9C800  }
0xb7: {  	[dreg:$0x8] =	wrdreg $0x9  }
0xb8: {  	_ =	task.clear_ibuf [dreg:s10], $0x9FFFF;
	_ =	strace $0x90000046  }
0xb9: {  	s29 =	simm.s32 $0x9;
	_ =	strace $0x80000048  }
0xba: {  	_ =	swait.ge [sflag:s29], $0x1  }
0xbb: {  	[sflag:s29] =	ssyncadd.s32 $0xFFFFFFFF  }
0xbc: {  	_ =	strace $0x90000048  }
0xbd: {  	_ =	sfence  }
0xbe: {  	s30 =	sld [smem:$0x0];
	_ =	sdelay $0x2  }
0xbf: {  	s31 =	sshll.u32 s1, $0xD;
	s1 =	sshrl.u32 s1, $0x2  }
0xc0: {  	s3 =	sand.u32 $0x4000, s31;
	s1 =	sadd.s32 s1, s30  }
0xc1: {  	s0 =	sor.u32 s3, s0;
	s1 =	sshll.u32 s1, $0x11  }
0xc2: {  	s0 =	sor.u32 s1, s0  }
0xc3: {  	s0 =	sadd.s32 $0x8F2B, s0  }
0xc4: {  	[sflag:s0] =	ssyncadd.remote.s32 $0x1  }
0xc5: {  	_ =	sfence.sel $0xFFFF  }
0xc6: {  	[dreg:$0x0] =	wrdreg $0xFFFFFFFF;
	(pc) =	sbr.abs _section_cstart, $3  }
0xc7: {  	[dreg:$0x1] =	wrdreg $0xFFFFFFFF  }
0xc8: {  	_ =	task.clear_ibuf [dreg:s10], $0x2FFFF;
	_ =	strace $0x9FFFFFFF  }
0xc9: {  	(tm) =	ssettm $0x7FFFFFFF  }
tec
execute0_lowered:
.L_overlay_start_1:
0x0: {  	(tag) =	ssettag $0x1  }
0x1: {  	v17 =	vlaneseq.u32  }
0x2: {  	v0 =	vmul.u32 $0x80, v17  }
0x3: {  	s0 =	rddreg [dreg:$0x0]  }
0x4: {  	s1 =	srdreg.scid;
	s2 =	rddreg [dreg:$0x2];
	vm0 =	vmmov $0xf;
	v17 =	vmul.u32 $0x10, v17;
	v2 =	vor.u32 $0x800, v0  }
0x5: {  	s10 =	stileid.u32;
	s8 =	rddreg [dreg:$0x4];
	v3 =	vor.u32 $0x1000, v0;
	v4 =	vor.u32 $0x1800, v0;
	v5 =	vor.u32 $0x2000, v0  }
0x6: {  	s5 =	rddreg [dreg:$0x5];
	s6 =	simm.s32 $0x0;
	s13 =	simm.s32 $0x400;
	v6 =	vor.u32 $0x2800, v0;
	v7 =	vor.u32 $0x3000, v0;
	v8 =	vor.u32 $0x3800, v0  }
0x7: {  	s14 =	simm.s32 $0xC3800;
	s15 =	simm.s32 $0x280;
	s16 =	simm.s32 $0x9680;
	v9 =	vor.u32 $0x4000, v0;
	v10 =	vor.u32 $0x4800, v0;
	v11 =	vor.u32 $0x5000, v0  }
0x8: {  	s17 =	simm.s32 $0x9A80;
	s18 =	simm.s32 $0x200;
	s19 =	simm.s32 $0x9B00;
	v12 =	vor.u32 $0x5800, v0;
	v13 =	vor.u32 $0x6000, v0;
	v14 =	vor.u32 $0x6800, v0  }
0x9: {  	s20 =	simm.s32 $0x9C00;
	s7 =	sand.u32 $0x1, s1;
	s1 =	rddreg [dreg:$0x1];
	v15 =	vor.u32 $0x7000, v0;
	v16 =	vor.u32 $0x7800, v0;
	v18 =	vor.u32 $0x8000, v0  }
0xa: {  	[smem:$0x7FF] =	sst s6;
	s31 =	sshll.u32 s10, $0x4;
	p0 =	sne.s32 s10, $0x0;
	v19 =	vor.u32 $0x8800, v0;
	v20 =	vadd.s32 $0x8E00, v0;
	v21 =	vor.u32 $0x1, v17  }
0xb: {  	s3 =	sshll.u32 s7, $0x4;
	s9 =	ssub.s32 $0x2, s7;
	s12 =	sshll.u32 s7, $0x1;
	v22 =	vor.u32 $0x2, v17;
	v23 =	vor.u32 $0x3, v17;
	v24 =	vor.u32 $0x4, v17  }
0xc: {  	s7 =	sadd.s32 s31, s5;
	s4 =	sor.u32 s10, s3;
	s3 =	rddreg [dreg:$0x3];
	v25 =	vor.u32 $0x5, v17;
	v26 =	vor.u32 $0x6, v17;
	v27 =	vor.u32 $0x7, v17  }
0xd: {  	s11 =	sshrl.u32 s9, $0x1;
	s8 =	sadd.s32 s8, s12;
	s10 =	simm.s32 $0x2;
	v28 =	vor.u32 $0x8, v17;
	v29 =	vor.u32 $0x9, v17;
	v30 =	vor.u32 $0xA, v17  }
0xe: {  	s12 =	simm.s32 $0x1;
	v31 =	vor.u32 $0xB, v17;
	v32 =	vor.u32 $0xC, v17;
	v1 =	vmov s4;
	s4 =	rddreg [dreg:$0x6];
	s9 =	ssub.s32 s9, s11  }
0xf: {  	v33 =	vor.u32 $0xD, v17;
	v34 =	vor.u32 $0xE, v17;
	v35 =	vor.u32 $0xF, v17;
	_ =	strace $0x80000047;
	s11 =	simm.s32 $0x80;
	s9 =	smax.u32 s9, $0x1  }
.LBB2_1:
0x10: {  	[tilespmem:s6], [sflag:$0x2] =	stream.linear.gather [hbm4b:s0+s6], $0x80, $0x38;
	[tilespmem:$0x9C90] =	vst v63  }
0x11: {  	_ =	swait.ge [sflag:s10], $0x80  }
0x12: {  	[sflag:s10] =	ssyncset.done $0x0  }
0x13: {  	[sflag:s10] =	ssyncadd.s32 $0xFFFFFF80  }
0x14: {  	[tilespmem:s11], [sflag:$0x2] =	stream.linear.gather [hbm4b:s1+s6], $0x180, $0x38;
	[tilespmem:$0x9C90] =	vst v63  }
0x15: {  	_ =	swait.ge [sflag:s10], $0x180  }
0x16: {  	[sflag:s10] =	ssyncset.done $0x0  }
0x17: {  	[sflag:s10] =	ssyncadd.s32 $0xFFFFFE80  }
0x18: {  	v36 =	vld.idx.msk [tilespmem:v1+s6+$0x0], $0xffff;
	_ =	sdelay $0x4  }
0x19: {  	(v2sf) =	vpush v36, $0x0;
	_ =	sdelay $0xe  }
0x1a: {  	s21 =	spop (v2sf)  }
0x1b: {  	s22 =	sand.u32 $0x7F, s21  }
0x1c: {  	s23 =	sshra.s32 s21, $0x1F;
	p1 =	slt.s32 s21, $0x1;
	p2 =	sne.s32 s22, $0x0  }
0x1d: {  	s30 =	sshrl.u32 s23, $0x19;
	p1 =	por !p1, !p2  }
0x1e: {  	s23 =	simm.s32 $0x1;
	s22 =	sadd.s32 s30, s21;
	p1 =	por !p1, !p1  }
0x1f: {  	s22 =	sshrl.u32 s22, $0x7;
	s23 =	simm.s32 @!p1 $0x0  }
0x20: {  	s22 =	ssub.s32 s22, s23  }
0x21: {  	s22 =	sshll.u32 s22, $0x7  }
0x22: {  	s31 =	sand.u32 $0x1FFFFF80, s22  }
0x23: {  	s23 =	sadd.s32 s3, s31  }
0x24: {  	[tilespmem:s15], [sflag:$0x1] =	stream.strided.gather [hbm4b:s23+s13], $0x9400, s14, s13, $0x38;
	[tilespmem:$0x9C90] =	vst v63  }
0x25: {  	s23 =	sadd.s32 $0x388300, s23  }
0x26: {  	[tilespmem:s16], [sflag:$0x1] =	stream.linear.gather [hbm4b:s23+s6], $0x200, $0x38;
	[tilespmem:$0x9C90] =	vst v63  }
0x27: {  	v36 =	vld [tilespmem:$0x80]  }
0x28: {  	v37 =	vld [tilespmem:$0x90]  }
0x29: {  	v38 =	vld [tilespmem:$0xA0]  }
0x2a: {  	v39 =	vld [tilespmem:$0xB0]  }
0x2b: {  	v40 =	vld [tilespmem:$0xC0]  }
0x2c: {  	v41 =	vld [tilespmem:$0xD0]  }
0x2d: {  	v42 =	vld [tilespmem:$0xE0]  }
0x2e: {  	v43 =	vld [tilespmem:$0xF0]  }
0x2f: {  	v44 =	vld [tilespmem:$0x100]  }
0x30: {  	v45 =	vld [tilespmem:$0x110]  }
0x31: {  	v46 =	vld [tilespmem:$0x120]  }
0x32: {  	v47 =	vld [tilespmem:$0x130]  }
0x33: {  	v48 =	vld [tilespmem:$0x140]  }
0x34: {  	v49 =	vld [tilespmem:$0x150]  }
0x35: {  	v50 =	vld [tilespmem:$0x160]  }
0x36: {  	s21 =	ssub.s32 s21, s22;
	v51 =	vld [tilespmem:$0x170]  }
0x37: {  	v54 =	vadd.s32 s21, v0;
	v52 =	vld [tilespmem:$0x180]  }
0x38: {  	v56 =	vadd.s32 s21, v2;
	v53 =	vld [tilespmem:$0x190]  }
0x39: {  	v55 =	vld [tilespmem:$0x19C];
	_ =	swait.ge [sflag:s12], $0x9600  }
0x3a: {  	v57 =	vadd.s32 s21, v3;
	[sflag:s12] =	ssyncset.done $0x0  }
0x3b: {  	[sflag:s12] =	ssyncadd.s32 $0xFFFF6A00  }
0x3c: {  	v58 =	vadd.s32 s21, v4;
	v54 =	vld.idx.msk [tilespmem:v54+s15+$0x0], $0xffff  }
0x3d: {  	v56 =	vld.idx.msk [tilespmem:v56+s15+$0x0], $0xffff  }
0x3e: {  	v59 =	vadd.s32 s21, v5  }
0x3f: {  	v57 =	vld.idx.msk [tilespmem:v57+s15+$0x0], $0xffff  }
0x40: {  	v60 =	vadd.s32 s21, v6  }
0x41: {  	v58 =	vld.idx.msk [tilespmem:v58+s15+$0x0], $0xffff  }
0x42: {  	v36 =	vmul.f32 v54, v36;
	v37 =	vmul.f32 v56, v37;
	v54 =	vadd.s32 s21, v7  }
0x43: {  	v56 =	vld.idx.msk [tilespmem:v59+s15+$0x0], $0xffff  }
0x44: {  	v62 =	vadd.s32 s21, v8;
	v61 =	vmul.f32 v57, v38;
	v36 =	vadd.f32 v37, v36  }
0x45: {  	v63 =	vld.idx.msk [tilespmem:v60+s15+$0x0], $0xffff  }
0x46: {  	v58 =	vmul.f32 v58, v39;
	v59 =	vadd.s32 s21, v9;
	v36 =	vadd.f32 v61, v36  }
0x47: {  	v54 =	vld.idx.msk [tilespmem:v54+s15+$0x0], $0xffff  }
0x48: {  	v61 =	vadd.s32 s21, v10;
	v60 =	vmul.f32 v56, v40;
	v36 =	vadd.f32 v58, v36  }
0x49: {  	v38 =	vld.idx.msk [tilespmem:v62+s15+$0x0], $0xffff  }
0x4a: {  	v62 =	vmul.f32 v63, v41;
	v63 =	vadd.s32 s21, v11;
	v36 =	vadd.f32 v60, v36  }
0x4b: {  	v39 =	vld.idx.msk [tilespmem:v59+s15+$0x0], $0xffff  }
0x4c: {  	v57 =	vadd.s32 s21, v12;
	v36 =	vadd.f32 v62, v36;
	v56 =	vmul.f32 v54, v42  }
0x4d: {  	v40 =	vld.idx.msk [tilespmem:v61+s15+$0x0], $0xffff  }
0x4e: {  	v59 =	vadd.s32 s21, v13;
	v58 =	vmul.f32 v38, v43;
	v36 =	vadd.f32 v56, v36  }
0x4f: {  	v41 =	vld.idx.msk [tilespmem:v63+s15+$0x0], $0xffff  }
0x50: {  	v61 =	vadd.s32 s21, v14;
	v60 =	vmul.f32 v39, v44;
	v36 =	vadd.f32 v58, v36  }
0x51: {  	v42 =	vld.idx.msk [tilespmem:v57+s15+$0x0], $0xffff  }
0x52: {  	v63 =	vadd.s32 s21, v15;
	v62 =	vmul.f32 v40, v45;
	v36 =	vadd.f32 v60, v36  }
0x53: {  	v38 =	vld.idx.msk [tilespmem:v59+s15+$0x0], $0xffff  }
0x54: {  	v44 =	vmul.f32 v41, v46;
	v45 =	vadd.s32 s21, v16;
	v36 =	vadd.f32 v62, v36  }
0x55: {  	v39 =	vld.idx.msk [tilespmem:v61+s15+$0x0], $0xffff  }
0x56: {  	v46 =	vmul.f32 v42, v47;
	v47 =	vadd.s32 s21, v18;
	v36 =	vadd.f32 v44, v36  }
0x57: {  	v40 =	vld.idx.msk [tilespmem:v63+s15+$0x0], $0xffff  }
0x58: {  	v54 =	vadd.s32 s21, v19;
	v48 =	vmul.f32 v38, v48;
	v36 =	vadd.f32 v46, v36  }
0x59: {  	v41 =	vld.idx.msk [tilespmem:v45+s15+$0x0], $0xffff  }
0x5a: {  	v57 =	vadd.s32 s21, v20;
	v56 =	vmul.f32 v39, v49;
	v36 =	vadd.f32 v48, v36  }
0x5b: {  	v42 =	vld.idx.msk [tilespmem:v47+s15+$0x0], $0xffff  }
0x5c: {  	v58 =	vmul.f32 v40, v50;
	v36 =	vadd.f32 v56, v36  }
0x5d: {  	v38 =	vld.idx.msk [tilespmem:v54+s15+$0x0], $0xffff  }
0x5e: {  	v59 =	vmul.f32 v41, v51;
	v36 =	vadd.f32 v58, v36  }
0x5f: {  	v39 =	vld.idx.msk [tilespmem:v57+s15+$0x0], $0xffff  }
0x60: {  	v60 =	vmul.f32 v42, v52;
	v36 =	vadd.f32 v59, v36;
	_ =	sdelay $0x1  }
0x61: {  	v61 =	vmul.f32 v38, v53;
	v36 =	vadd.f32 v60, v36  }
0x62: {  	v62 =	vsel vm0, $0x0, v55  }
0x63: {  	v63 =	vmul.f32 v39, v62;
	v36 =	vadd.f32 v61, v36;
	_ =	sdelay $0x1  }
0x64: {  	v36 =	vadd.f32 v63, v36;
	_ =	sdelay $0x1  }
0x65: {  	[tilespmem:$0x9A80] =	vst v36  }
0x66: {  	[spmem:s7] =	stream.linear.scatter [tilespmem:s17], [sflag:$0x2], $0x10, $0x38;
	[tilespmem:$0x9C90] =	vst v63  }
0x67: {  	_ =	swait.ge [sflag:s10], $0x10  }
0x68: {  	[sflag:s10] =	ssyncset.done $0x0  }
0x69: {  	[sflag:s10] =	ssyncadd.s32 $0xFFFFFFF0  }
0x6a: {  	[bflag:$0x0] =	sbarrier.arrive $0xFFFF  }
0x6b: {  	[tilespmem:s18], [sflag:$0x2] =	stream.linear.gather @!p0 [hbm4b:s2+s6], $0x80, $0x38;
	[tilespmem:$0x9C90] =	vst v63  }
0x6c: {  	_ =	swait.ge @!p0 [sflag:s10], $0x80  }
0x6d: {  	[sflag:s10] =	ssyncset.done @!p0 $0x0  }
0x6e: {  	[sflag:s10] =	ssyncadd.s32 @!p0 $0xFFFFFF80  }
0x6f: {  	[tilespmem:s19], [sflag:$0x2] =	stream.linear.gather @!p0 [spmem:s5], $0x100, $0x38;
	[tilespmem:$0x9C90] =	vst v63  }
0x70: {  	_ =	swait.ge @!p0 [sflag:s10], $0x100  }
0x71: {  	[sflag:s10] =	ssyncset.done @!p0 $0x0  }
0x72: {  	[sflag:s10] =	ssyncadd.s32 @!p0 $0xFFFFFF00  }
0x73: {  	v36 =	vld.idx.msk @!p0 [tilespmem:v17+s19+$0x0], $0xffff  }
0x74: {  	v37 =	vld.idx.msk @!p0 [tilespmem:v21+s19+$0x0], $0xffff;
	_ =	sdelay $0x1  }
0x75: {  	v38 =	vld.idx.msk @!p0 [tilespmem:v22+s19+$0x0], $0xffff;
	_ =	sdelay $0x1  }
0x76: {  	v39 =	vld.idx.msk @!p0 [tilespmem:v23+s19+$0x0], $0xffff  }
0x77: {  	v36 =	vadd.f32 @!p0 v37, v36  }
0x78: {  	v37 =	vld.idx.msk @!p0 [tilespmem:v24+s19+$0x0], $0xffff  }
0x79: {  	v36 =	vadd.f32 @!p0 v38, v36  }
0x7a: {  	v38 =	vld.idx.msk @!p0 [tilespmem:v25+s19+$0x0], $0xffff  }
0x7b: {  	v36 =	vadd.f32 @!p0 v39, v36  }
0x7c: {  	v39 =	vld.idx.msk @!p0 [tilespmem:v26+s19+$0x0], $0xffff  }
0x7d: {  	v36 =	vadd.f32 @!p0 v37, v36  }
0x7e: {  	v37 =	vld.idx.msk @!p0 [tilespmem:v27+s19+$0x0], $0xffff  }
0x7f: {  	v36 =	vadd.f32 @!p0 v38, v36  }
0x80: {  	v38 =	vld.idx.msk @!p0 [tilespmem:v28+s19+$0x0], $0xffff  }
0x81: {  	v36 =	vadd.f32 @!p0 v39, v36  }
0x82: {  	v39 =	vld.idx.msk @!p0 [tilespmem:v29+s19+$0x0], $0xffff  }
0x83: {  	v36 =	vadd.f32 @!p0 v37, v36  }
0x84: {  	v37 =	vld.idx.msk @!p0 [tilespmem:v30+s19+$0x0], $0xffff  }
0x85: {  	v36 =	vadd.f32 @!p0 v38, v36  }
0x86: {  	v38 =	vld.idx.msk @!p0 [tilespmem:v31+s19+$0x0], $0xffff  }
0x87: {  	v36 =	vadd.f32 @!p0 v39, v36  }
0x88: {  	v39 =	vld.idx.msk @!p0 [tilespmem:v32+s19+$0x0], $0xffff  }
0x89: {  	v36 =	vadd.f32 @!p0 v37, v36  }
0x8a: {  	v37 =	vld.idx.msk @!p0 [tilespmem:v33+s19+$0x0], $0xffff  }
0x8b: {  	v36 =	vadd.f32 @!p0 v38, v36  }
0x8c: {  	v38 =	vld.idx.msk @!p0 [tilespmem:v34+s19+$0x0], $0xffff  }
0x8d: {  	v36 =	vadd.f32 @!p0 v39, v36  }
0x8e: {  	v39 =	vld.idx.msk @!p0 [tilespmem:v35+s19+$0x0], $0xffff  }
0x8f: {  	v36 =	vadd.f32 @!p0 v37, v36  }
0x90: {  	v37 =	vld.msk @!p0 [tilespmem:s18+$0x0], $0xffff  }
0x91: {  	v36 =	vadd.f32 @!p0 v38, v36;
	_ =	sdelay $0x1  }
0x92: {  	v36 =	vadd.f32 @!p0 v39, v36;
	_ =	sdelay $0x1  }
0x93: {  	v36 =	vadd.f32 @!p0 v36, v37;
	_ =	sdelay $0x1  }
0x94: {  	v36 =	vsub.f32 @!p0 $0.0e+00, v36;
	_ =	sdelay $0x1  }
0x95: {  	v36 =	vmul.f32 @!p0 $1.442695020e+00, v36;
	_ =	sdelay $0x1  }
0x96: {  	(erf) = vpow2.f32 @!p0 v36;
	_ =	sdelay $0x8  }
0x97: {  	v36 =	vpop @!p0 (erf)  }
0x98: {  	v36 =	vadd.f32 @!p0 $1.000000000e+00, v36;
	_ =	sdelay $0x1  }
0x99: {  	(erf) = vrcp.f32 @!p0 v36;
	_ =	sdelay $0x7  }
0x9a: {  	s9 =	sadd.s32 $0xFFFFFFFF, s9  }
0x9b: {  	p1 =	sne.s32 s9, $0x0;
	v36 =	vpop @!p0 (erf)  }
.Ltmp0:
0x9c: {  	[tilespmem:$0x9C00] =	vst @!p0 v36;
	(pc) =	sbr.rel @p1 .LBB2_1-.Ltmp0, $4  }
0x9d: {  	[hbm4b:s8+s6] =	stream.linear.scatter @!p0 [tilespmem:s20], [sflag:$0x2], $0x10, $0x38;
	[tilespmem:$0x9C90] =	vst v63  }
0x9e: {  	_ =	swait.ge @!p0 [sflag:s10], $0x10  }
0x9f: {  	[sflag:s10] =	ssyncset.done @!p0 $0x0  }
0xa0: {  	[sflag:s10] =	ssyncadd.s32 @!p0 $0xFFFFFFF0  }
0xa1: {  	_ =	sfence.sel $0x180000  }
0xa2: {  	[bflag:$0x0] =	sbarrier.arrive $0xFFFF  }
0xa3: {  	_ =	strace $0x90000047  }
0xa4: {  	s0 =	sadd.s32 @!p0 $0x100000, s4;
	[bflag:$0x2] =	sbarrier.arrive $0xFFFF  }
0xa5: {  	[sflag:s0] =	ssyncadd.tile.s32 @!p0 $0x1;
	_ =	shalt  }
.Lfunc_end2:
_tile_overlayer_lowered:
.L_overlay_start_2:
0xa6: {  	(tag) =	ssettag $0x2  }
0xa7: {  	s0 =	rddreg [dreg:$0x0];
	s2 =	stileid.u32  }
0xa8: {  	s1 =	rddreg [dreg:$0x1];
	p0 =	sne.s32 s2, $0x0  }
0xa9: {  	s3 =	rddreg [dreg:$0x2];
	[bflag:$0x3] =	sbarrier.arrive $0xFFFF;
	s2 =	simm.s32 @!p0 $0x1C02  }
0xaa: {  	[timem:s3], [sflag:s2] =	dma.local @!p0 [hbm:s0], s1  }
0xab: {  	s0 =	simm.s32 @!p0 $0x2  }
0xac: {  	_ =	swait.ge @!p0 [sflag:s0], s1  }
0xad: {  	s1 =	ssub.s32 @!p0 $0x0, s1;
	[sflag:s0] =	ssyncset.done @!p0 $0x0  }
0xae: {  	[sflag:s0] =	ssyncadd.s32 @!p0 s1  }
0xaf: {  	[bflag:$0x3] =	sbarrier.arrive $0xFFFF  }
0xb0: {  	_ =	shalt  }

</sc_bundles>
